<compile_context>
chip_gen: v7x
topology: tpu7x:2x2x1
jax: 0.10.2.dev20260603
libtpu: 0.0.44.dev20260713+nightly
codegen_flags: <defaults>
</compile_context>

<pallas_src>
import functools

import jax
import jax.numpy as jnp
from jax import lax
from jax.experimental import pallas as pl
from jax.experimental.pallas import tpu as pltpu
from jax.experimental.pallas import tpu_sc as plsc

_B = 4096
_F = 26
_E = 16
_BF = _B * _F
_NW = 32
_PW = _BF // _NW
_CL = 128
_NCH = _PW // _CL
_BB = 512
_H = 400
_D_IN = _F * _E
_INV_STD = 0.9999950000374997


def _sc_gather(emb, fw16, idx_r, idx_hi, idx_lo):
    mesh = plsc.VectorSubcoreMesh(core_axis_name="c", subcore_axis_name="s")

    @functools.partial(
        pl.kernel,
        mesh=mesh,
        out_type=[
            jax.ShapeDtypeStruct((_NW, _PW, _E), jnp.float32),
            jax.ShapeDtypeStruct((_NW, _PW), jnp.float32),
        ],
        scratch_types=[
            pltpu.VMEM((_NCH, _CL), jnp.int32),
            pltpu.VMEM((_NCH, _CL), jnp.int32),
            pltpu.VMEM((_NCH, _CL), jnp.int32),
            pltpu.VMEM((_PW, _E), jnp.float32),
            pltpu.VMEM((_PW, _E), jnp.float32),
            pltpu.VMEM((_PW,), jnp.float32),
            pltpu.SemaphoreType.DMA,
        ],
        compiler_params=pltpu.CompilerParams(
            use_tc_tiling_on_sc=False, needs_layout_passes=False),
    )
    def gather_kernel(emb_hbm, fw16_hbm, idx_hbm, idxhi_hbm, idxlo_hbm,
                      out_e, out_f,
                      idx_v, idxhi_v, idxlo_v, erows, frows16, fwvals, sem):
        wid = lax.axis_index("s") * 2 + lax.axis_index("c")
        pltpu.sync_copy(idx_hbm.at[wid], idx_v)
        pltpu.sync_copy(idxhi_hbm.at[wid], idxhi_v)
        pltpu.sync_copy(idxlo_hbm.at[wid], idxlo_v)

        def fire(c, carry):
            pltpu.async_copy(emb_hbm.at[idx_v.at[c]],
                             erows.at[pl.ds(c * _CL, _CL)], sem)
            pltpu.async_copy(fw16_hbm.at[idxhi_v.at[c]],
                             frows16.at[pl.ds(c * _CL, _CL)], sem)
            return carry

        lax.fori_loop(0, _NCH, fire, 0)

        def drain(c, carry):
            pltpu.make_async_copy(
                emb_hbm.at[idx_v.at[c]],
                erows.at[pl.ds(c * _CL, _CL)], sem).wait()
            pltpu.make_async_copy(
                fw16_hbm.at[idxhi_v.at[c]],
                frows16.at[pl.ds(c * _CL, _CL)], sem).wait()
            return carry

        lax.fori_loop(0, _NCH, drain, 0)
        pltpu.sync_copy(erows, out_e.at[wid])

        lane_iota = lax.iota(jnp.int32, 16)

        def select(k, carry):
            c = k // (_CL // 16)
            j = k - c * (_CL // 16)
            lane = idxlo_v[c, pl.ds(j * 16, 16)]
            rows = lane_iota + k * 16
            fwvals[pl.ds(k * 16, 16)] = plsc.load_gather(frows16, [rows, lane])
            return carry

        lax.fori_loop(0, _PW // 16, select, 0)
        pltpu.sync_copy(fwvals, out_f.at[wid])

    return gather_kernel(emb, fw16, idx_r, idx_hi, idx_lo)


def _tc_body(e_ref, fw_ref, fv_ref,
             w1_ref, b1_ref, g1_ref, be1_ref,
             w2_ref, b2_ref, g2_ref, be2_ref,
             w3_ref, b3_ref, g3_ref, be3_ref,
             wfc_ref, bfc_ref, out_ref):
    fv = fv_ref[...]
    fw = fw_ref[...]
    e_raw = e_ref[...]

    rep_f = lax.broadcasted_iota(jnp.int32, (_F, _D_IN), 0)
    rep_j = lax.broadcasted_iota(jnp.int32, (_F, _D_IN), 1) // _E
    rep = (rep_f == rep_j).astype(jnp.float32)
    fvx = jnp.dot(fv, rep, preferred_element_type=jnp.float32, precision=lax.Precision.HIGHEST)
    e = e_raw * fvx

    sum_j = lax.broadcasted_iota(jnp.int32, (_D_IN, _E), 0) % _E
    sum_k = lax.broadcasted_iota(jnp.int32, (_D_IN, _E), 1)
    smat = (sum_j == sum_k).astype(jnp.float32)
    summed = jnp.dot(e, smat, preferred_element_type=jnp.float32, precision=lax.Precision.HIGHEST)
    sumsq = jnp.dot(e * e, smat, preferred_element_type=jnp.float32, precision=lax.Precision.HIGHEST)
    y_secd = 0.5 * (summed * summed - sumsq)

    y_first = fw * fv

    def dot16(a, b):
        return jnp.dot(a.astype(jnp.bfloat16), b.astype(jnp.bfloat16),
                       preferred_element_type=jnp.float32)

    h = dot16(e, w1_ref[...]) + b1_ref[...]
    h = jnp.maximum(h * (_INV_STD * g1_ref[...]) + be1_ref[...], 0.0)
    h = dot16(h, w2_ref[...]) + b2_ref[...]
    h = jnp.maximum(h * (_INV_STD * g2_ref[...]) + be2_ref[...], 0.0)
    h = dot16(h, w3_ref[...]) + b3_ref[...]
    h = jnp.maximum(h * (_INV_STD * g3_ref[...]) + be3_ref[...], 0.0)

    wfc = wfc_ref[...]
    out = (dot16(y_first, wfc[0:_F, :])
           + dot16(y_secd, wfc[_F:_F + _E, :])
           + dot16(h, wfc[_F + _E:, :])
           + bfc_ref[...])
    out_ref[...] = out


def _tc_dense(e_raw, fw, fv, W1, b1, g1, be1, W2, b2, g2, be2,
              W3, b3, g3, be3, Wfc, bfc):
    grid = (_B // _BB,)

    def row_block(i):
        return (i, 0)

    def whole(i):
        return (0, 0)

    bspec = lambda shape, imap: pl.BlockSpec(shape, imap)
    in_specs = [
        bspec((_BB, _D_IN), row_block),
        bspec((_BB, _F), row_block),
        bspec((_BB, _F), row_block),
        bspec((_D_IN, _H), whole), bspec((1, _H), whole),
        bspec((1, _H), whole), bspec((1, _H), whole),
        bspec((_H, _H), whole), bspec((1, _H), whole),
        bspec((1, _H), whole), bspec((1, _H), whole),
        bspec((_H, _H), whole), bspec((1, _H), whole),
        bspec((1, _H), whole), bspec((1, _H), whole),
        bspec((_F + _E + _H, 1), whole), bspec((1, 1), whole),
    ]
    return pl.pallas_call(
        _tc_body,
        grid=grid,
        in_specs=in_specs,
        out_specs=pl.BlockSpec((_BB, 1), row_block),
        out_shape=jax.ShapeDtypeStruct((_B, 1), jnp.float32),
    )(e_raw, fw, fv, W1, b1, g1, be1, W2, b2, g2, be2,
      W3, b3, g3, be3, Wfc, bfc)


def kernel(feat_index, feat_value, first_w, emb,
           W1, b1, g1, be1, W2, b2, g2, be2, W3, b3, g3, be3,
           Wfc, bfc):
    idx_r = feat_index.astype(jnp.int32).reshape(_NW, _NCH, _CL)
    e_rows, f_rows = _sc_gather(emb, first_w.reshape(-1, _E), idx_r,
                                idx_r >> 4, idx_r & 15)
    e_raw = e_rows.reshape(_B, _D_IN)
    fw = f_rows.reshape(_B, _F)
    out = _tc_dense(
        e_raw, fw, feat_value,
        W1, b1.reshape(1, _H), g1.reshape(1, _H), be1.reshape(1, _H),
        W2, b2.reshape(1, _H), g2.reshape(1, _H), be2.reshape(1, _H),
        W3, b3.reshape(1, _H), g3.reshape(1, _H), be3.reshape(1, _H),
        Wfc, bfc.reshape(1, 1))
    return out

# --- scband reference (transcript-rebuilt; emitter-appended) ---
"""Pipeline reference for scband-deep-fm-41369124995402 (READ-ONLY COPY).

The authoritative reference and input builder live on the scoring server;
editing this copy changes nothing except your own understanding.
"""

import jax, jax.numpy as jnp
import numpy as np

NUM_FEAT = 1000000
NUM_FIELD = 26
EMB = 16
LAYERS = [400, 400, 400]
B = 4096
EPS = 1e-5


def setup_inputs(seed: int = 0) -> dict:
    key = jax.random.key(seed)
    ks = jax.random.split(key, 24)
    inp = {}
    inp["feat_index"] = jax.random.randint(ks[0], (B, NUM_FIELD), 0, NUM_FEAT)
    inp["feat_value"] = jax.random.uniform(ks[1], (B, NUM_FIELD), dtype=jnp.float32)
    # embedding tables (xavier-like scale)
    inp["first_w"] = jax.random.normal(ks[2], (NUM_FEAT, 1), dtype=jnp.float32) * 0.01
    inp["emb"] = jax.random.normal(ks[3], (NUM_FEAT, EMB), dtype=jnp.float32) * 0.01
    dims = [NUM_FIELD * EMB] + LAYERS
    for i in range(1, len(LAYERS) + 1):
        fan_in, fan_out = dims[i - 1], dims[i]
        bound = float(np.sqrt(1.0 / fan_in))
        inp[f"W{i}"] = jax.random.uniform(ks[3 + 4 * i], (fan_in, fan_out), dtype=jnp.float32, minval=-bound, maxval=bound)
        inp[f"b{i}"] = jax.random.uniform(ks[4 + 4 * i], (fan_out,), dtype=jnp.float32, minval=-bound, maxval=bound)
        inp[f"g{i}"] = jnp.ones((fan_out,), dtype=jnp.float32)
        inp[f"be{i}"] = jnp.zeros((fan_out,), dtype=jnp.float32)
    fc_in = NUM_FIELD + EMB + LAYERS[-1]
    bound = float(np.sqrt(1.0 / fc_in))
    inp["Wfc"] = jax.random.uniform(ks[20], (fc_in, 1), dtype=jnp.float32, minval=-bound, maxval=bound)
    inp["bfc"] = jax.random.uniform(ks[21], (1,), dtype=jnp.float32, minval=-bound, maxval=bound)
    return inp


def _bn_eval(x, g, be):
    # eval-mode batchnorm with running_mean=0, running_var=1
    return (x - 0.0) / jnp.sqrt(1.0 + EPS) * g + be


def reference(feat_index, feat_value, first_w, emb,
              W1, b1, g1, be1, W2, b2, g2, be2, W3, b3, g3, be3,
              Wfc, bfc):
    fv = feat_value[:, :, None]                      # [B, F, 1]
    fw = jnp.take(first_w, feat_index, axis=0)       # [B, F, 1] (gather)
    y_first = jnp.sum(fw * fv, axis=2)               # [B, F]  (dropout_fm[0]=0 -> identity)
    e = jnp.take(emb, feat_index, axis=0) * fv       # [B, F, E] (gather)
    summed = jnp.sum(e, axis=1)                      # [B, E]
    y_secd = 0.5 * (summed ** 2 - jnp.sum(e ** 2, axis=1))  # [B, E]
    y_deep = e.reshape(B, NUM_FIELD * EMB)
    Ws = [(W1, b1, g1, be1), (W2, b2, g2, be2), (W3, b3, g3, be3)]
    for (W, b, g, be) in Ws:
        y_deep = y_deep @ W + b
        y_deep = _bn_eval(y_deep, g, be)
        y_deep = jax.nn.relu(y_deep)
    concat = jnp.concatenate((y_first, y_secd, y_deep), axis=1)
    out = concat @ Wfc + bfc
    return out

if __name__ == "__main__":
    import jax
    _d = setup_inputs()
    print(jax.jit(kernel)(*tuple(_d.values())))

</pallas_src>

<mosaic_0001>
#map = affine_map<(d0, d1) -> (0, 0)>
#map1 = affine_map<(d0, d1) -> (0, 0, 0)>
module attributes {stable_mosaic.version = 14 : i64} {
  func.func @gather_kernel(%arg0: i32, %arg1: i32, %arg2: memref<1000000x16xf32, #tpu.memory_space<hbm>>, %arg3: memref<62500x16xf32, #tpu.memory_space<hbm>>, %arg4: memref<32x26x128xi32, #tpu.memory_space<hbm>>, %arg5: memref<32x26x128xi32, #tpu.memory_space<hbm>>, %arg6: memref<32x26x128xi32, #tpu.memory_space<hbm>>, %arg7: memref<32x3328x16xf32, #tpu.memory_space<hbm>>, %arg8: memref<32x3328xf32, #tpu.memory_space<hbm>>, %arg9: memref<26x128xi32, #tpu.memory_space<vmem>>, %arg10: memref<26x128xi32, #tpu.memory_space<vmem>>, %arg11: memref<26x128xi32, #tpu.memory_space<vmem>>, %arg12: memref<3328x16xf32, #tpu.memory_space<vmem>>, %arg13: memref<3328x16xf32, #tpu.memory_space<vmem>>, %arg14: memref<3328xf32, #tpu.memory_space<vmem>>, %arg15: memref<!tpu.dma_semaphore, #tpu.memory_space<semaphore_mem>>) attributes {dimension_semantics = [#tpu.dimension_semantics<core_parallel>, #tpu.dimension_semantics<subcore_parallel>], iteration_bounds = array<i64: 2, 16>, scalar_prefetch = 0 : i64, scratch_operands = 7 : i64, tpu.core_type = #tpu.core_type<sc_vector_subcore>, window_params = [{transform_indices = #map}, {transform_indices = #map}, {transform_indices = #map1}, {transform_indices = #map1}, {transform_indices = #map1}, {transform_indices = #map1}, {transform_indices = #map}]} {
    %mul3A = arith.constant 2 : i32
    %mul3A_0 = arith.muli %arg1, %mul3A : i32
    %add3A = arith.addi %mul3A_0, %arg0 : i32
    "tpu.region"() ({
      %run_scoped3A = tpu.sem_alloc : memref<!tpu.dma_semaphore, #tpu.memory_space<semaphore_mem>>
      %dma_start3A = arith.constant 0 : i32
      %dma_start3A_18 = arith.constant 0 : i32
      %dma_start3A_19 = tpu.memref_slice %arg4[%add3A, %dma_start3A, %dma_start3A_18] : memref<32x26x128xi32, #tpu.memory_space<hbm>> -> memref<1x26x128xi32, #tpu.memory_space<hbm>>
      %dma_start3A_20 = tpu.memref_squeeze %dma_start3A_19 : memref<1x26x128xi32, #tpu.memory_space<hbm>> -> memref<26x128xi32, #tpu.memory_space<hbm>>
      %dma_start3A_21 = arith.constant 0 : i32
      %dma_start3A_22 = arith.constant 0 : i32
      %dma_start3A_23 = tpu.memref_slice %arg4[%add3A, %dma_start3A_21, %dma_start3A_22] : memref<32x26x128xi32, #tpu.memory_space<hbm>> -> memref<1x26x128xi32, #tpu.memory_space<hbm>>
      %dma_start3A_24 = tpu.memref_squeeze %dma_start3A_23 : memref<1x26x128xi32, #tpu.memory_space<hbm>> -> memref<26x128xi32, #tpu.memory_space<hbm>>
      tpu.enqueue_dma source(%dma_start3A_24 : memref<26x128xi32, #tpu.memory_space<hbm>>) target(%arg9 : memref<26x128xi32, #tpu.memory_space<vmem>>) target_semaphore(%run_scoped3A : memref<!tpu.dma_semaphore, #tpu.memory_space<semaphore_mem>>)
      %dma_wait3A = arith.constant 0 : i32
      %dma_wait3A_25 = arith.constant 0 : i32
      %dma_wait3A_26 = tpu.memref_slice %arg4[%add3A, %dma_wait3A, %dma_wait3A_25] : memref<32x26x128xi32, #tpu.memory_space<hbm>> -> memref<1x26x128xi32, #tpu.memory_space<hbm>>
      %dma_wait3A_27 = tpu.memref_squeeze %dma_wait3A_26 : memref<1x26x128xi32, #tpu.memory_space<hbm>> -> memref<26x128xi32, #tpu.memory_space<hbm>>
      %dma_wait3A_28 = arith.constant 0 : i32
      %dma_wait3A_29 = arith.constant 0 : i32
      %dma_wait3A_30 = tpu.memref_slice %arg4[%add3A, %dma_wait3A_28, %dma_wait3A_29] : memref<32x26x128xi32, #tpu.memory_space<hbm>> -> memref<1x26x128xi32, #tpu.memory_space<hbm>>
      %dma_wait3A_31 = tpu.memref_squeeze %dma_wait3A_30 : memref<1x26x128xi32, #tpu.memory_space<hbm>> -> memref<26x128xi32, #tpu.memory_space<hbm>>
      tpu.wait_dma2 semaphore(%run_scoped3A : memref<!tpu.dma_semaphore, #tpu.memory_space<semaphore_mem>>) src(%dma_wait3A_31 : memref<26x128xi32, #tpu.memory_space<hbm>>) dst(%arg9 : memref<26x128xi32, #tpu.memory_space<vmem>>)
      tpu.yield
    }) : () -> ()
    "tpu.region"() ({
      %run_scoped3A = tpu.sem_alloc : memref<!tpu.dma_semaphore, #tpu.memory_space<semaphore_mem>>
      %dma_start3A = arith.constant 0 : i32
      %dma_start3A_18 = arith.constant 0 : i32
      %dma_start3A_19 = tpu.memref_slice %arg5[%add3A, %dma_start3A, %dma_start3A_18] : memref<32x26x128xi32, #tpu.memory_space<hbm>> -> memref<1x26x128xi32, #tpu.memory_space<hbm>>
      %dma_start3A_20 = tpu.memref_squeeze %dma_start3A_19 : memref<1x26x128xi32, #tpu.memory_space<hbm>> -> memref<26x128xi32, #tpu.memory_space<hbm>>
      %dma_start3A_21 = arith.constant 0 : i32
      %dma_start3A_22 = arith.constant 0 : i32
      %dma_start3A_23 = tpu.memref_slice %arg5[%add3A, %dma_start3A_21, %dma_start3A_22] : memref<32x26x128xi32, #tpu.memory_space<hbm>> -> memref<1x26x128xi32, #tpu.memory_space<hbm>>
      %dma_start3A_24 = tpu.memref_squeeze %dma_start3A_23 : memref<1x26x128xi32, #tpu.memory_space<hbm>> -> memref<26x128xi32, #tpu.memory_space<hbm>>
      tpu.enqueue_dma source(%dma_start3A_24 : memref<26x128xi32, #tpu.memory_space<hbm>>) target(%arg10 : memref<26x128xi32, #tpu.memory_space<vmem>>) target_semaphore(%run_scoped3A : memref<!tpu.dma_semaphore, #tpu.memory_space<semaphore_mem>>)
      %dma_wait3A = arith.constant 0 : i32
      %dma_wait3A_25 = arith.constant 0 : i32
      %dma_wait3A_26 = tpu.memref_slice %arg5[%add3A, %dma_wait3A, %dma_wait3A_25] : memref<32x26x128xi32, #tpu.memory_space<hbm>> -> memref<1x26x128xi32, #tpu.memory_space<hbm>>
      %dma_wait3A_27 = tpu.memref_squeeze %dma_wait3A_26 : memref<1x26x128xi32, #tpu.memory_space<hbm>> -> memref<26x128xi32, #tpu.memory_space<hbm>>
      %dma_wait3A_28 = arith.constant 0 : i32
      %dma_wait3A_29 = arith.constant 0 : i32
      %dma_wait3A_30 = tpu.memref_slice %arg5[%add3A, %dma_wait3A_28, %dma_wait3A_29] : memref<32x26x128xi32, #tpu.memory_space<hbm>> -> memref<1x26x128xi32, #tpu.memory_space<hbm>>
      %dma_wait3A_31 = tpu.memref_squeeze %dma_wait3A_30 : memref<1x26x128xi32, #tpu.memory_space<hbm>> -> memref<26x128xi32, #tpu.memory_space<hbm>>
      tpu.wait_dma2 semaphore(%run_scoped3A : memref<!tpu.dma_semaphore, #tpu.memory_space<semaphore_mem>>) src(%dma_wait3A_31 : memref<26x128xi32, #tpu.memory_space<hbm>>) dst(%arg10 : memref<26x128xi32, #tpu.memory_space<vmem>>)
      tpu.yield
    }) : () -> ()
    "tpu.region"() ({
      %run_scoped3A = tpu.sem_alloc : memref<!tpu.dma_semaphore, #tpu.memory_space<semaphore_mem>>
      %dma_start3A = arith.constant 0 : i32
      %dma_start3A_18 = arith.constant 0 : i32
      %dma_start3A_19 = tpu.memref_slice %arg6[%add3A, %dma_start3A, %dma_start3A_18] : memref<32x26x128xi32, #tpu.memory_space<hbm>> -> memref<1x26x128xi32, #tpu.memory_space<hbm>>
      %dma_start3A_20 = tpu.memref_squeeze %dma_start3A_19 : memref<1x26x128xi32, #tpu.memory_space<hbm>> -> memref<26x128xi32, #tpu.memory_space<hbm>>
      %dma_start3A_21 = arith.constant 0 : i32
      %dma_start3A_22 = arith.constant 0 : i32
      %dma_start3A_23 = tpu.memref_slice %arg6[%add3A, %dma_start3A_21, %dma_start3A_22] : memref<32x26x128xi32, #tpu.memory_space<hbm>> -> memref<1x26x128xi32, #tpu.memory_space<hbm>>
      %dma_start3A_24 = tpu.memref_squeeze %dma_start3A_23 : memref<1x26x128xi32, #tpu.memory_space<hbm>> -> memref<26x128xi32, #tpu.memory_space<hbm>>
      tpu.enqueue_dma source(%dma_start3A_24 : memref<26x128xi32, #tpu.memory_space<hbm>>) target(%arg11 : memref<26x128xi32, #tpu.memory_space<vmem>>) target_semaphore(%run_scoped3A : memref<!tpu.dma_semaphore, #tpu.memory_space<semaphore_mem>>)
      %dma_wait3A = arith.constant 0 : i32
      %dma_wait3A_25 = arith.constant 0 : i32
      %dma_wait3A_26 = tpu.memref_slice %arg6[%add3A, %dma_wait3A, %dma_wait3A_25] : memref<32x26x128xi32, #tpu.memory_space<hbm>> -> memref<1x26x128xi32, #tpu.memory_space<hbm>>
      %dma_wait3A_27 = tpu.memref_squeeze %dma_wait3A_26 : memref<1x26x128xi32, #tpu.memory_space<hbm>> -> memref<26x128xi32, #tpu.memory_space<hbm>>
      %dma_wait3A_28 = arith.constant 0 : i32
      %dma_wait3A_29 = arith.constant 0 : i32
      %dma_wait3A_30 = tpu.memref_slice %arg6[%add3A, %dma_wait3A_28, %dma_wait3A_29] : memref<32x26x128xi32, #tpu.memory_space<hbm>> -> memref<1x26x128xi32, #tpu.memory_space<hbm>>
      %dma_wait3A_31 = tpu.memref_squeeze %dma_wait3A_30 : memref<1x26x128xi32, #tpu.memory_space<hbm>> -> memref<26x128xi32, #tpu.memory_space<hbm>>
      tpu.wait_dma2 semaphore(%run_scoped3A : memref<!tpu.dma_semaphore, #tpu.memory_space<semaphore_mem>>) src(%dma_wait3A_31 : memref<26x128xi32, #tpu.memory_space<hbm>>) dst(%arg11 : memref<26x128xi32, #tpu.memory_space<vmem>>)
      tpu.yield
    }) : () -> ()
    %scan3A = arith.constant 0 : i32
    %scan3A_1 = arith.constant 0 : i32
    %scan3A_2 = arith.constant 26 : i32
    %scan3A_3 = arith.addi %scan3A_1, %scan3A_2 : i32
    %scan3A_4 = arith.constant 1 : i32
    scf.for %scan3A_18 = %scan3A_1 to %scan3A_3 step %scan3A_4  : i32 {
      %mul3A_19 = arith.constant 128 : i32
      %mul3A_20 = arith.muli %scan3A_18, %mul3A_19 : i32
      %dma_start3A = arith.constant 0 : i32
      %dma_start3A_21 = tpu.memref_slice %arg12[%mul3A_20, %dma_start3A] : memref<3328x16xf32, #tpu.memory_space<vmem>> -> memref<128x16xf32, #tpu.memory_space<vmem>>
      %dma_start3A_22 = arith.constant 0 : i32
      %dma_start3A_23 = tpu.memref_slice %arg9[%scan3A_18, %dma_start3A_22] : memref<26x128xi32, #tpu.memory_space<vmem>> -> memref<1x128xi32, #tpu.memory_space<vmem>>
      %dma_start3A_24 = tpu.memref_squeeze %dma_start3A_23 : memref<1x128xi32, #tpu.memory_space<vmem>> -> memref<128xi32, #tpu.memory_space<vmem>>
      %dma_start3A_25 = arith.constant 0 : i32
      %dma_start3A_26 = arith.constant 0 : i32
      %dma_start3A_27 = tpu.memref_slice %arg2[%dma_start3A_25, %dma_start3A_26] : memref<1000000x16xf32, #tpu.memory_space<hbm>> -> memref<1000000x16xf32, #tpu.memory_space<hbm>>
      tpu.enqueue_indirect_dma source(%dma_start3A_27 : memref<1000000x16xf32, #tpu.memory_space<hbm>>) target(%dma_start3A_21 : memref<128x16xf32, #tpu.memory_space<vmem>>) offsets(%dma_start3A_24 : memref<128xi32, #tpu.memory_space<vmem>>) semaphore(%arg15 : memref<!tpu.dma_semaphore, #tpu.memory_space<semaphore_mem>>)
      %mul3A_28 = arith.constant 128 : i32
      %mul3A_29 = arith.muli %scan3A_18, %mul3A_28 : i32
      %dma_start3A_30 = arith.constant 0 : i32
      %dma_start3A_31 = tpu.memref_slice %arg13[%mul3A_29, %dma_start3A_30] : memref<3328x16xf32, #tpu.memory_space<vmem>> -> memref<128x16xf32, #tpu.memory_space<vmem>>
      %dma_start3A_32 = arith.constant 0 : i32
      %dma_start3A_33 = tpu.memref_slice %arg10[%scan3A_18, %dma_start3A_32] : memref<26x128xi32, #tpu.memory_space<vmem>> -> memref<1x128xi32, #tpu.memory_space<vmem>>
      %dma_start3A_34 = tpu.memref_squeeze %dma_start3A_33 : memref<1x128xi32, #tpu.memory_space<vmem>> -> memref<128xi32, #tpu.memory_space<vmem>>
      %dma_start3A_35 = arith.constant 0 : i32
      %dma_start3A_36 = arith.constant 0 : i32
      %dma_start3A_37 = tpu.memref_slice %arg3[%dma_start3A_35, %dma_start3A_36] : memref<62500x16xf32, #tpu.memory_space<hbm>> -> memref<62500x16xf32, #tpu.memory_space<hbm>>
      tpu.enqueue_indirect_dma source(%dma_start3A_37 : memref<62500x16xf32, #tpu.memory_space<hbm>>) target(%dma_start3A_31 : memref<128x16xf32, #tpu.memory_space<vmem>>) offsets(%dma_start3A_34 : memref<128xi32, #tpu.memory_space<vmem>>) semaphore(%arg15 : memref<!tpu.dma_semaphore, #tpu.memory_space<semaphore_mem>>)
    }
    %scan3A_5 = arith.constant 26 : i32
    %scan3A_6 = arith.constant 0 : i32
    %scan3A_7 = arith.constant 0 : i32
    %scan3A_8 = arith.constant 26 : i32
    %scan3A_9 = arith.addi %scan3A_7, %scan3A_8 : i32
    %scan3A_10 = arith.constant 1 : i32
    scf.for %scan3A_18 = %scan3A_7 to %scan3A_9 step %scan3A_10  : i32 {
      %mul3A_19 = arith.constant 128 : i32
      %mul3A_20 = arith.muli %scan3A_18, %mul3A_19 : i32
      %dma_wait3A = arith.constant 0 : i32
      %dma_wait3A_21 = tpu.memref_slice %arg12[%mul3A_20, %dma_wait3A] : memref<3328x16xf32, #tpu.memory_space<vmem>> -> memref<128x16xf32, #tpu.memory_space<vmem>>
      %dma_wait3A_22 = arith.constant 0 : i32
      %dma_wait3A_23 = tpu.memref_slice %arg9[%scan3A_18, %dma_wait3A_22] : memref<26x128xi32, #tpu.memory_space<vmem>> -> memref<1x128xi32, #tpu.memory_space<vmem>>
      %dma_wait3A_24 = tpu.memref_squeeze %dma_wait3A_23 : memref<1x128xi32, #tpu.memory_space<vmem>> -> memref<128xi32, #tpu.memory_space<vmem>>
      %dma_wait3A_25 = arith.constant 0 : i32
      %dma_wait3A_26 = arith.constant 0 : i32
      %dma_wait3A_27 = tpu.memref_slice %arg2[%dma_wait3A_25, %dma_wait3A_26] : memref<1000000x16xf32, #tpu.memory_space<hbm>> -> memref<1000000x16xf32, #tpu.memory_space<hbm>>
      tpu.wait_indirect_dma semaphore(%arg15 : memref<!tpu.dma_semaphore, #tpu.memory_space<semaphore_mem>>) src(%dma_wait3A_27 : memref<1000000x16xf32, #tpu.memory_space<hbm>>) dst(%dma_wait3A_21 : memref<128x16xf32, #tpu.memory_space<vmem>>)
      %mul3A_28 = arith.constant 128 : i32
      %mul3A_29 = arith.muli %scan3A_18, %mul3A_28 : i32
      %dma_wait3A_30 = arith.constant 0 : i32
      %dma_wait3A_31 = tpu.memref_slice %arg13[%mul3A_29, %dma_wait3A_30] : memref<3328x16xf32, #tpu.memory_space<vmem>> -> memref<128x16xf32, #tpu.memory_space<vmem>>
      %dma_wait3A_32 = arith.constant 0 : i32
      %dma_wait3A_33 = tpu.memref_slice %arg10[%scan3A_18, %dma_wait3A_32] : memref<26x128xi32, #tpu.memory_space<vmem>> -> memref<1x128xi32, #tpu.memory_space<vmem>>
      %dma_wait3A_34 = tpu.memref_squeeze %dma_wait3A_33 : memref<1x128xi32, #tpu.memory_space<vmem>> -> memref<128xi32, #tpu.memory_space<vmem>>
      %dma_wait3A_35 = arith.constant 0 : i32
      %dma_wait3A_36 = arith.constant 0 : i32
      %dma_wait3A_37 = tpu.memref_slice %arg3[%dma_wait3A_35, %dma_wait3A_36] : memref<62500x16xf32, #tpu.memory_space<hbm>> -> memref<62500x16xf32, #tpu.memory_space<hbm>>
      tpu.wait_indirect_dma semaphore(%arg15 : memref<!tpu.dma_semaphore, #tpu.memory_space<semaphore_mem>>) src(%dma_wait3A_37 : memref<62500x16xf32, #tpu.memory_space<hbm>>) dst(%dma_wait3A_31 : memref<128x16xf32, #tpu.memory_space<vmem>>)
    }
    %scan3A_11 = arith.constant 26 : i32
    "tpu.region"() ({
      %run_scoped3A = tpu.sem_alloc : memref<!tpu.dma_semaphore, #tpu.memory_space<semaphore_mem>>
      %dma_start3A = arith.constant 0 : i32
      %dma_start3A_18 = arith.constant 0 : i32
      %dma_start3A_19 = tpu.memref_slice %arg7[%add3A, %dma_start3A, %dma_start3A_18] : memref<32x3328x16xf32, #tpu.memory_space<hbm>> -> memref<1x3328x16xf32, #tpu.memory_space<hbm>>
      %dma_start3A_20 = tpu.memref_squeeze %dma_start3A_19 : memref<1x3328x16xf32, #tpu.memory_space<hbm>> -> memref<3328x16xf32, #tpu.memory_space<hbm>>
      %dma_start3A_21 = arith.constant 0 : i32
      %dma_start3A_22 = arith.constant 0 : i32
      %dma_start3A_23 = tpu.memref_slice %arg7[%add3A, %dma_start3A_21, %dma_start3A_22] : memref<32x3328x16xf32, #tpu.memory_space<hbm>> -> memref<1x3328x16xf32, #tpu.memory_space<hbm>>
      %dma_start3A_24 = tpu.memref_squeeze %dma_start3A_23 : memref<1x3328x16xf32, #tpu.memory_space<hbm>> -> memref<3328x16xf32, #tpu.memory_space<hbm>>
      tpu.enqueue_dma source(%arg12 : memref<3328x16xf32, #tpu.memory_space<vmem>>) target(%dma_start3A_24 : memref<3328x16xf32, #tpu.memory_space<hbm>>) target_semaphore(%run_scoped3A : memref<!tpu.dma_semaphore, #tpu.memory_space<semaphore_mem>>)
      %dma_wait3A = arith.constant 0 : i32
      %dma_wait3A_25 = arith.constant 0 : i32
      %dma_wait3A_26 = tpu.memref_slice %arg7[%add3A, %dma_wait3A, %dma_wait3A_25] : memref<32x3328x16xf32, #tpu.memory_space<hbm>> -> memref<1x3328x16xf32, #tpu.memory_space<hbm>>
      %dma_wait3A_27 = tpu.memref_squeeze %dma_wait3A_26 : memref<1x3328x16xf32, #tpu.memory_space<hbm>> -> memref<3328x16xf32, #tpu.memory_space<hbm>>
      %dma_wait3A_28 = arith.constant 0 : i32
      %dma_wait3A_29 = arith.constant 0 : i32
      %dma_wait3A_30 = tpu.memref_slice %arg7[%add3A, %dma_wait3A_28, %dma_wait3A_29] : memref<32x3328x16xf32, #tpu.memory_space<hbm>> -> memref<1x3328x16xf32, #tpu.memory_space<hbm>>
      %dma_wait3A_31 = tpu.memref_squeeze %dma_wait3A_30 : memref<1x3328x16xf32, #tpu.memory_space<hbm>> -> memref<3328x16xf32, #tpu.memory_space<hbm>>
      tpu.wait_dma2 semaphore(%run_scoped3A : memref<!tpu.dma_semaphore, #tpu.memory_space<semaphore_mem>>) src(%arg12 : memref<3328x16xf32, #tpu.memory_space<vmem>>) dst(%dma_wait3A_31 : memref<3328x16xf32, #tpu.memory_space<hbm>>)
      tpu.yield
    }) : () -> ()
    %iota3A = tpu.iota {dimensions = array<i32: 0>} : vector<16xi32>
    %scan3A_12 = arith.constant 0 : i32
    %scan3A_13 = arith.constant 0 : i32
    %scan3A_14 = arith.constant 208 : i32
    %scan3A_15 = arith.addi %scan3A_13, %scan3A_14 : i32
    %scan3A_16 = arith.constant 1 : i32
    scf.for %scan3A_18 = %scan3A_13 to %scan3A_15 step %scan3A_16  : i32 {
      %jit3A = arith.constant 8 : i32
      %div3A = arith.divsi %scan3A_18, %jit3A : i32
      %sign3A = arith.constant 0 : i32
      %sign3A_19 = arith.cmpi sgt, %scan3A_18, %sign3A : i32
      %sign3A_20 = arith.extui %sign3A_19 : i1 to i32
      %sign3A_21 = arith.constant 0 : i32
      %sign3A_22 = arith.cmpi slt, %scan3A_18, %sign3A_21 : i32
      %sign3A_23 = arith.extui %sign3A_22 : i1 to i32
      %sign3A_24 = arith.subi %sign3A_20, %sign3A_23 : i32
      %sign3A_25 = arith.constant 0 : i32
      %sign3A_26 = arith.cmpi sgt, %jit3A, %sign3A_25 : i32
      %sign3A_27 = arith.extui %sign3A_26 : i1 to i32
      %sign3A_28 = arith.constant 0 : i32
      %sign3A_29 = arith.cmpi slt, %jit3A, %sign3A_28 : i32
      %sign3A_30 = arith.extui %sign3A_29 : i1 to i32
      %sign3A_31 = arith.subi %sign3A_27, %sign3A_30 : i32
      %ne3A = arith.cmpi ne, %sign3A_24, %sign3A_31 : i32
      %rem3A = arith.remsi %scan3A_18, %jit3A : i32
      %ne3A_32 = arith.constant 0 : i32
      %ne3A_33 = arith.cmpi ne, %rem3A, %ne3A_32 : i32
      %and3A = arith.andi %ne3A, %ne3A_33 : i1
      %sub3A = arith.constant 1 : i32
      %sub3A_34 = arith.subi %div3A, %sub3A : i32
      %select_n3A = arith.select %and3A, %sub3A_34, %div3A : i32
      %mul3A_35 = arith.constant 8 : i32
      %mul3A_36 = arith.muli %select_n3A, %mul3A_35 : i32
      %sub3A_37 = arith.subi %scan3A_18, %mul3A_36 : i32
      %mul3A_38 = arith.constant 16 : i32
      %mul3A_39 = arith.muli %sub3A_37, %mul3A_38 : i32
      %get3A = arith.index_cast %select_n3A : i32 to index
      %get3A_40 = arith.index_cast %mul3A_39 : i32 to index
      %get3A_41 = tpu.vector_load %arg11[%get3A, %get3A_40] {strides = array<i32>} : memref<26x128xi32, #tpu.memory_space<vmem>>, vector<16xi32>,
      %mul3A_42 = arith.constant 16 : i32
      %mul3A_43 = arith.muli %scan3A_18, %mul3A_42 : i32
      %add3A_44 = vector.broadcast %mul3A_43 : i32 to vector<16xi32>
      %add3A_45 = arith.addi %iota3A, %add3A_44 : vector<16xi32>
      %gather3A = tpu.vector_load_idx %arg13[%add3A_45, %get3A_41] : memref<3328x16xf32, #tpu.memory_space<vmem>>[vector<16xi32>, vector<16xi32>], vector<16xf32>,
      %mul3A_46 = arith.constant 16 : i32
      %mul3A_47 = arith.muli %scan3A_18, %mul3A_46 : i32
      %swap3A = arith.index_cast %mul3A_47 : i32 to index
      %swap3A_48 = tpu.vector_load %arg14[%swap3A] {strides = array<i32>} : memref<3328xf32, #tpu.memory_space<vmem>>, vector<16xf32>,
      tpu.vector_store %arg14[%swap3A], %gather3A {strides = array<i32>} : memref<3328xf32, #tpu.memory_space<vmem>>, vector<16xf32>,
    }
    %scan3A_17 = arith.constant 208 : i32
    "tpu.region"() ({
      %run_scoped3A = tpu.sem_alloc : memref<!tpu.dma_semaphore, #tpu.memory_space<semaphore_mem>>
      %dma_start3A = arith.constant 0 : i32
      %dma_start3A_18 = tpu.memref_slice %arg8[%add3A, %dma_start3A] : memref<32x3328xf32, #tpu.memory_space<hbm>> -> memref<1x3328xf32, #tpu.memory_space<hbm>>
      %dma_start3A_19 = tpu.memref_squeeze %dma_start3A_18 : memref<1x3328xf32, #tpu.memory_space<hbm>> -> memref<3328xf32, #tpu.memory_space<hbm>>
      %dma_start3A_20 = arith.constant 0 : i32
      %dma_start3A_21 = tpu.memref_slice %arg8[%add3A, %dma_start3A_20] : memref<32x3328xf32, #tpu.memory_space<hbm>> -> memref<1x3328xf32, #tpu.memory_space<hbm>>
      %dma_start3A_22 = tpu.memref_squeeze %dma_start3A_21 : memref<1x3328xf32, #tpu.memory_space<hbm>> -> memref<3328xf32, #tpu.memory_space<hbm>>
      tpu.enqueue_dma source(%arg14 : memref<3328xf32, #tpu.memory_space<vmem>>) target(%dma_start3A_22 : memref<3328xf32, #tpu.memory_space<hbm>>) target_semaphore(%run_scoped3A : memref<!tpu.dma_semaphore, #tpu.memory_space<semaphore_mem>>)
      %dma_wait3A = arith.constant 0 : i32
      %dma_wait3A_23 = tpu.memref_slice %arg8[%add3A, %dma_wait3A] : memref<32x3328xf32, #tpu.memory_space<hbm>> -> memref<1x3328xf32, #tpu.memory_space<hbm>>
      %dma_wait3A_24 = tpu.memref_squeeze %dma_wait3A_23 : memref<1x3328xf32, #tpu.memory_space<hbm>> -> memref<3328xf32, #tpu.memory_space<hbm>>
      %dma_wait3A_25 = arith.constant 0 : i32
      %dma_wait3A_26 = tpu.memref_slice %arg8[%add3A, %dma_wait3A_25] : memref<32x3328xf32, #tpu.memory_space<hbm>> -> memref<1x3328xf32, #tpu.memory_space<hbm>>
      %dma_wait3A_27 = tpu.memref_squeeze %dma_wait3A_26 : memref<1x3328xf32, #tpu.memory_space<hbm>> -> memref<3328xf32, #tpu.memory_space<hbm>>
      tpu.wait_dma2 semaphore(%run_scoped3A : memref<!tpu.dma_semaphore, #tpu.memory_space<semaphore_mem>>) src(%arg14 : memref<3328xf32, #tpu.memory_space<vmem>>) dst(%dma_wait3A_27 : memref<3328xf32, #tpu.memory_space<hbm>>)
      tpu.yield
    }) : () -> ()
    return
  }
}

module attributes {stable_mosaic.version = 14 : i64} {
  func.func @_tc_body(%arg0: i32, %arg1: memref<512x416xf32, #tpu.memory_space<vmem>>, %arg2: memref<512x26xf32, #tpu.memory_space<vmem>>, %arg3: memref<512x26xf32, #tpu.memory_space<vmem>>, %arg4: memref<416x400xf32, #tpu.memory_space<vmem>>, %arg5: memref<1x400xf32, #tpu.memory_space<vmem>>, %arg6: memref<1x400xf32, #tpu.memory_space<vmem>>, %arg7: memref<1x400xf32, #tpu.memory_space<vmem>>, %arg8: memref<400x400xf32, #tpu.memory_space<vmem>>, %arg9: memref<1x400xf32, #tpu.memory_space<vmem>>, %arg10: memref<1x400xf32, #tpu.memory_space<vmem>>, %arg11: memref<1x400xf32, #tpu.memory_space<vmem>>, %arg12: memref<400x400xf32, #tpu.memory_space<vmem>>, %arg13: memref<1x400xf32, #tpu.memory_space<vmem>>, %arg14: memref<1x400xf32, #tpu.memory_space<vmem>>, %arg15: memref<1x400xf32, #tpu.memory_space<vmem>>, %arg16: memref<442x1xf32, #tpu.memory_space<vmem>>, %arg17: memref<1x1xf32, #tpu.memory_space<vmem>>, %arg18: memref<512x1xf32, #tpu.memory_space<vmem>>) attributes {dimension_semantics = [#tpu.dimension_semantics<arbitrary>], iteration_bounds = array<i64: 8>, scalar_prefetch = 0 : i64, scratch_operands = 0 : i64, tpu.core_type = #tpu.core_type<tc>, window_params = [{transform_indices = @transform_0, window_bounds = array<i64: 512, 416>}, {transform_indices = @transform_1, window_bounds = array<i64: 512, 26>}, {transform_indices = @transform_2, window_bounds = array<i64: 512, 26>}, {pipeline_mode = #tpu.pipeline_mode<synchronous>, transform_indices = @transform_3, window_bounds = array<i64: 416, 400>}, {pipeline_mode = #tpu.pipeline_mode<synchronous>, transform_indices = @transform_4, window_bounds = array<i64: 1, 400>}, {pipeline_mode = #tpu.pipeline_mode<synchronous>, transform_indices = @transform_5, window_bounds = array<i64: 1, 400>}, {pipeline_mode = #tpu.pipeline_mode<synchronous>, transform_indices = @transform_6, window_bounds = array<i64: 1, 400>}, {pipeline_mode = #tpu.pipeline_mode<synchronous>, transform_indices = @transform_7, window_bounds = array<i64: 400, 400>}, {pipeline_mode = #tpu.pipeline_mode<synchronous>, transform_indices = @transform_8, window_bounds = array<i64: 1, 400>}, {pipeline_mode = #tpu.pipeline_mode<synchronous>, transform_indices = @transform_9, window_bounds = array<i64: 1, 400>}, {pipeline_mode = #tpu.pipeline_mode<synchronous>, transform_indices = @transform_10, window_bounds = array<i64: 1, 400>}, {pipeline_mode = #tpu.pipeline_mode<synchronous>, transform_indices = @transform_11, window_bounds = array<i64: 400, 400>}, {pipeline_mode = #tpu.pipeline_mode<synchronous>, transform_indices = @transform_12, window_bounds = array<i64: 1, 400>}, {pipeline_mode = #tpu.pipeline_mode<synchronous>, transform_indices = @transform_13, window_bounds = array<i64: 1, 400>}, {pipeline_mode = #tpu.pipeline_mode<synchronous>, transform_indices = @transform_14, window_bounds = array<i64: 1, 400>}, {pipeline_mode = #tpu.pipeline_mode<synchronous>, transform_indices = @transform_15, window_bounds = array<i64: 442, 1>}, {pipeline_mode = #tpu.pipeline_mode<synchronous>, transform_indices = @transform_16, window_bounds = array<i64: 1, 1>}, {transform_indices = @transform_17, window_bounds = array<i64: 512, 1>}]} {
    %get3A = arith.constant 0 : index
    %get3A_0 = arith.constant 0 : index
    %get3A_1 = vector.load %arg3[%get3A, %get3A_0] : memref<512x26xf32, #tpu.memory_space<vmem>>, vector<512x26xf32>
    %get3A_2 = arith.constant 0 : index
    %get3A_3 = arith.constant 0 : index
    %get3A_4 = vector.load %arg2[%get3A_2, %get3A_3] : memref<512x26xf32, #tpu.memory_space<vmem>>, vector<512x26xf32>
    %get3A_5 = arith.constant 0 : index
    %get3A_6 = arith.constant 0 : index
    %get3A_7 = vector.load %arg1[%get3A_5, %get3A_6] : memref<512x416xf32, #tpu.memory_space<vmem>>, vector<512x416xf32>
    %iota3A = tpu.iota {dimensions = array<i32: 0>} : vector<26x416xi32>
    %iota3A_8 = tpu.iota {dimensions = array<i32: 1>} : vector<26x416xi32>
    %jit3A = arith.constant 16 : i32
    %div3A = vector.broadcast %jit3A : i32 to vector<26x416xi32>
    %div3A_9 = arith.divsi %iota3A_8, %div3A : vector<26x416xi32>
    %sign3A = arith.constant 0 : i32
    %sign3A_10 = vector.broadcast %sign3A : i32 to vector<26x416xi32>
    %sign3A_11 = arith.cmpi sgt, %iota3A_8, %sign3A_10 : vector<26x416xi32>
    %sign3A_12 = arith.extui %sign3A_11 : vector<26x416xi1> to vector<26x416xi32>
    %sign3A_13 = arith.constant 0 : i32
    %sign3A_14 = vector.broadcast %sign3A_13 : i32 to vector<26x416xi32>
    %sign3A_15 = arith.cmpi slt, %iota3A_8, %sign3A_14 : vector<26x416xi32>
    %sign3A_16 = arith.extui %sign3A_15 : vector<26x416xi1> to vector<26x416xi32>
    %sign3A_17 = arith.subi %sign3A_12, %sign3A_16 : vector<26x416xi32>
    %sign3A_18 = arith.constant 0 : i32
    %sign3A_19 = arith.cmpi sgt, %jit3A, %sign3A_18 : i32
    %sign3A_20 = arith.extui %sign3A_19 : i1 to i32
    %sign3A_21 = arith.constant 0 : i32
    %sign3A_22 = arith.cmpi slt, %jit3A, %sign3A_21 : i32
    %sign3A_23 = arith.extui %sign3A_22 : i1 to i32
    %sign3A_24 = arith.subi %sign3A_20, %sign3A_23 : i32
    %ne3A = vector.broadcast %sign3A_24 : i32 to vector<26x416xi32>
    %ne3A_25 = arith.cmpi ne, %sign3A_17, %ne3A : vector<26x416xi32>
    %rem3A = vector.broadcast %jit3A : i32 to vector<26x416xi32>
    %rem3A_26 = arith.remsi %iota3A_8, %rem3A : vector<26x416xi32>
    %ne3A_27 = arith.constant 0 : i32
    %ne3A_28 = vector.broadcast %ne3A_27 : i32 to vector<26x416xi32>
    %ne3A_29 = arith.cmpi ne, %rem3A_26, %ne3A_28 : vector<26x416xi32>
    %and3A = arith.andi %ne3A_25, %ne3A_29 : vector<26x416xi1>
    %sub3A = arith.constant 1 : i32
    %sub3A_30 = vector.broadcast %sub3A : i32 to vector<26x416xi32>
    %sub3A_31 = arith.subi %div3A_9, %sub3A_30 : vector<26x416xi32>
    %select_n3A = arith.select %and3A, %sub3A_31, %div3A_9 : vector<26x416xi1>, vector<26x416xi32>
    %eq3A = arith.cmpi eq, %iota3A, %select_n3A : vector<26x416xi32>
    %convert_element_type3A = arith.extui %eq3A : vector<26x416xi1> to vector<26x416xi32>
    %convert_element_type3A_32 = arith.sitofp %convert_element_type3A : vector<26x416xi32> to vector<26x416xf32>
    %dot_general3A = arith.constant dense<0.000000e+00> : vector<512x416xf32>
    %dot_general3A_33 = tpu.matmul %get3A_1, %convert_element_type3A_32, %dot_general3A {dimension_numbers = #tpu.dot_dimension_numbers<[1], [0], [0], [1], [0, 0, 1, 1], [], []>, precision = #tpu.contract_precision<fp32>, transpose_lhs_hint = false} : vector<512x26xf32>, vector<26x416xf32>, vector<512x416xf32> -> vector<512x416xf32>
    %mul3A = arith.mulf %get3A_7, %dot_general3A_33 : vector<512x416xf32>
    %iota3A_34 = tpu.iota {dimensions = array<i32: 0>} : vector<416x16xi32>
    %jit3A_35 = arith.constant 16 : i32
    %eq3A_36 = arith.constant 0 : i32
    %eq3A_37 = arith.cmpi eq, %jit3A_35, %eq3A_36 : i32
    %jit3A_38 = arith.constant 1 : i32
    %select_n3A_39 = arith.select %eq3A_37, %jit3A_38, %jit3A_35 : i32
    %rem3A_40 = vector.broadcast %select_n3A_39 : i32 to vector<416x16xi32>
    %rem3A_41 = arith.remsi %iota3A_34, %rem3A_40 : vector<416x16xi32>
    %ne3A_42 = arith.constant 0 : i32
    %ne3A_43 = vector.broadcast %ne3A_42 : i32 to vector<416x16xi32>
    %ne3A_44 = arith.cmpi ne, %rem3A_41, %ne3A_43 : vector<416x16xi32>
    %lt3A = arith.constant 0 : i32
    %lt3A_45 = vector.broadcast %lt3A : i32 to vector<416x16xi32>
    %lt3A_46 = arith.cmpi slt, %rem3A_41, %lt3A_45 : vector<416x16xi32>
    %lt3A_47 = arith.constant 0 : i32
    %lt3A_48 = arith.cmpi slt, %select_n3A_39, %lt3A_47 : i32
    %ne3A_49 = vector.broadcast %lt3A_48 : i1 to vector<416x16xi1>
    %ne3A_50 = vector.broadcast %ne3A_49 : vector<416x16xi1> to vector<416x16xi1>
    %ne3A_51 = arith.xori %lt3A_46, %ne3A_50 : vector<416x16xi1>
    %and3A_52 = arith.andi %ne3A_51, %ne3A_44 : vector<416x16xi1>
    %add3A = vector.broadcast %select_n3A_39 : i32 to vector<416x16xi32>
    %add3A_53 = arith.addi %rem3A_41, %add3A : vector<416x16xi32>
    %select_n3A_54 = arith.select %and3A_52, %add3A_53, %rem3A_41 : vector<416x16xi1>, vector<416x16xi32>
    %iota3A_55 = tpu.iota {dimensions = array<i32: 1>} : vector<416x16xi32>
    %eq3A_56 = arith.cmpi eq, %select_n3A_54, %iota3A_55 : vector<416x16xi32>
    %convert_element_type3A_57 = arith.extui %eq3A_56 : vector<416x16xi1> to vector<416x16xi32>
    %convert_element_type3A_58 = arith.sitofp %convert_element_type3A_57 : vector<416x16xi32> to vector<416x16xf32>
    %dot_general3A_59 = arith.constant dense<0.000000e+00> : vector<512x16xf32>
    %dot_general3A_60 = tpu.matmul %mul3A, %convert_element_type3A_58, %dot_general3A_59 {dimension_numbers = #tpu.dot_dimension_numbers<[1], [0], [0], [1], [0, 0, 1, 1], [], []>, precision = #tpu.contract_precision<fp32>, transpose_lhs_hint = false} : vector<512x416xf32>, vector<416x16xf32>, vector<512x16xf32> -> vector<512x16xf32>
    %mul3A_61 = arith.mulf %mul3A, %mul3A : vector<512x416xf32>
    %dot_general3A_62 = arith.constant dense<0.000000e+00> : vector<512x16xf32>
    %dot_general3A_63 = tpu.matmul %mul3A_61, %convert_element_type3A_58, %dot_general3A_62 {dimension_numbers = #tpu.dot_dimension_numbers<[1], [0], [0], [1], [0, 0, 1, 1], [], []>, precision = #tpu.contract_precision<fp32>, transpose_lhs_hint = false} : vector<512x416xf32>, vector<416x16xf32>, vector<512x16xf32> -> vector<512x16xf32>
    %mul3A_64 = arith.mulf %dot_general3A_60, %dot_general3A_60 : vector<512x16xf32>
    %sub3A_65 = arith.subf %mul3A_64, %dot_general3A_63 : vector<512x16xf32>
    %mul3A_66 = arith.constant 5.000000e-01 : f32
    %mul3A_67 = vector.broadcast %mul3A_66 : f32 to vector<512x16xf32>
    %mul3A_68 = arith.mulf %mul3A_67, %sub3A_65 : vector<512x16xf32>
    %mul3A_69 = arith.mulf %get3A_4, %get3A_1 : vector<512x26xf32>
    %get3A_70 = arith.constant 0 : index
    %get3A_71 = arith.constant 0 : index
    %get3A_72 = vector.load %arg4[%get3A_70, %get3A_71] : memref<416x400xf32, #tpu.memory_space<vmem>>, vector<416x400xf32>
    %convert_element_type3A_73 = arith.truncf %mul3A : vector<512x416xf32> to vector<512x416xbf16>
    %convert_element_type3A_74 = arith.truncf %get3A_72 : vector<416x400xf32> to vector<416x400xbf16>
    %dot_general3A_75 = arith.constant dense<0.000000e+00> : vector<512x400xf32>
    %dot_general3A_76 = tpu.matmul %convert_element_type3A_73, %convert_element_type3A_74, %dot_general3A_75 {dimension_numbers = #tpu.dot_dimension_numbers<[1], [0], [0], [1], [0, 0, 1, 1], [], []>, transpose_lhs_hint = false} : vector<512x416xbf16>, vector<416x400xbf16>, vector<512x400xf32> -> vector<512x400xf32>
    %get3A_77 = arith.constant 0 : index
    %get3A_78 = arith.constant 0 : index
    %get3A_79 = vector.load %arg5[%get3A_77, %get3A_78] : memref<1x400xf32, #tpu.memory_space<vmem>>, vector<1x400xf32>
    %add3A_80 = vector.broadcast %get3A_79 : vector<1x400xf32> to vector<512x400xf32>
    %add3A_81 = arith.addf %dot_general3A_76, %add3A_80 : vector<512x400xf32>
    %get3A_82 = arith.constant 0 : index
    %get3A_83 = arith.constant 0 : index
    %get3A_84 = vector.load %arg6[%get3A_82, %get3A_83] : memref<1x400xf32, #tpu.memory_space<vmem>>, vector<1x400xf32>
    %mul3A_85 = arith.constant 0.999994993 : f32
    %mul3A_86 = vector.broadcast %mul3A_85 : f32 to vector<1x400xf32>
    %mul3A_87 = arith.mulf %mul3A_86, %get3A_84 : vector<1x400xf32>
    %mul3A_88 = vector.broadcast %mul3A_87 : vector<1x400xf32> to vector<512x400xf32>
    %mul3A_89 = arith.mulf %add3A_81, %mul3A_88 : vector<512x400xf32>
    %get3A_90 = arith.constant 0 : index
    %get3A_91 = arith.constant 0 : index
    %get3A_92 = vector.load %arg7[%get3A_90, %get3A_91] : memref<1x400xf32, #tpu.memory_space<vmem>>, vector<1x400xf32>
    %add3A_93 = vector.broadcast %get3A_92 : vector<1x400xf32> to vector<512x400xf32>
    %add3A_94 = arith.addf %mul3A_89, %add3A_93 : vector<512x400xf32>
    %max3A = arith.constant 0.000000e+00 : f32
    %max3A_95 = vector.broadcast %max3A : f32 to vector<512x400xf32>
    %max3A_96 = arith.maximumf %add3A_94, %max3A_95 : vector<512x400xf32>
    %get3A_97 = arith.constant 0 : index
    %get3A_98 = arith.constant 0 : index
    %get3A_99 = vector.load %arg8[%get3A_97, %get3A_98] : memref<400x400xf32, #tpu.memory_space<vmem>>, vector<400x400xf32>
    %convert_element_type3A_100 = arith.truncf %max3A_96 : vector<512x400xf32> to vector<512x400xbf16>
    %convert_element_type3A_101 = arith.truncf %get3A_99 : vector<400x400xf32> to vector<400x400xbf16>
    %dot_general3A_102 = arith.constant dense<0.000000e+00> : vector<512x400xf32>
    %dot_general3A_103 = tpu.matmul %convert_element_type3A_100, %convert_element_type3A_101, %dot_general3A_102 {dimension_numbers = #tpu.dot_dimension_numbers<[1], [0], [0], [1], [0, 0, 1, 1], [], []>, transpose_lhs_hint = false} : vector<512x400xbf16>, vector<400x400xbf16>, vector<512x400xf32> -> vector<512x400xf32>
    %get3A_104 = arith.constant 0 : index
    %get3A_105 = arith.constant 0 : index
    %get3A_106 = vector.load %arg9[%get3A_104, %get3A_105] : memref<1x400xf32, #tpu.memory_space<vmem>>, vector<1x400xf32>
    %add3A_107 = vector.broadcast %get3A_106 : vector<1x400xf32> to vector<512x400xf32>
    %add3A_108 = arith.addf %dot_general3A_103, %add3A_107 : vector<512x400xf32>
    %get3A_109 = arith.constant 0 : index
    %get3A_110 = arith.constant 0 : index
    %get3A_111 = vector.load %arg10[%get3A_109, %get3A_110] : memref<1x400xf32, #tpu.memory_space<vmem>>, vector<1x400xf32>
    %mul3A_112 = arith.constant 0.999994993 : f32
    %mul3A_113 = vector.broadcast %mul3A_112 : f32 to vector<1x400xf32>
    %mul3A_114 = arith.mulf %mul3A_113, %get3A_111 : vector<1x400xf32>
    %mul3A_115 = vector.broadcast %mul3A_114 : vector<1x400xf32> to vector<512x400xf32>
    %mul3A_116 = arith.mulf %add3A_108, %mul3A_115 : vector<512x400xf32>
    %get3A_117 = arith.constant 0 : index
    %get3A_118 = arith.constant 0 : index
    %get3A_119 = vector.load %arg11[%get3A_117, %get3A_118] : memref<1x400xf32, #tpu.memory_space<vmem>>, vector<1x400xf32>
    %add3A_120 = vector.broadcast %get3A_119 : vector<1x400xf32> to vector<512x400xf32>
    %add3A_121 = arith.addf %mul3A_116, %add3A_120 : vector<512x400xf32>
    %max3A_122 = arith.constant 0.000000e+00 : f32
    %max3A_123 = vector.broadcast %max3A_122 : f32 to vector<512x400xf32>
    %max3A_124 = arith.maximumf %add3A_121, %max3A_123 : vector<512x400xf32>
    %get3A_125 = arith.constant 0 : index
    %get3A_126 = arith.constant 0 : index
    %get3A_127 = vector.load %arg12[%get3A_125, %get3A_126] : memref<400x400xf32, #tpu.memory_space<vmem>>, vector<400x400xf32>
    %convert_element_type3A_128 = arith.truncf %max3A_124 : vector<512x400xf32> to vector<512x400xbf16>
    %convert_element_type3A_129 = arith.truncf %get3A_127 : vector<400x400xf32> to vector<400x400xbf16>
    %dot_general3A_130 = arith.constant dense<0.000000e+00> : vector<512x400xf32>
    %dot_general3A_131 = tpu.matmul %convert_element_type3A_128, %convert_element_type3A_129, %dot_general3A_130 {dimension_numbers = #tpu.dot_dimension_numbers<[1], [0], [0], [1], [0, 0, 1, 1], [], []>, transpose_lhs_hint = false} : vector<512x400xbf16>, vector<400x400xbf16>, vector<512x400xf32> -> vector<512x400xf32>
    %get3A_132 = arith.constant 0 : index
    %get3A_133 = arith.constant 0 : index
    %get3A_134 = vector.load %arg13[%get3A_132, %get3A_133] : memref<1x400xf32, #tpu.memory_space<vmem>>, vector<1x400xf32>
    %add3A_135 = vector.broadcast %get3A_134 : vector<1x400xf32> to vector<512x400xf32>
    %add3A_136 = arith.addf %dot_general3A_131, %add3A_135 : vector<512x400xf32>
    %get3A_137 = arith.constant 0 : index
    %get3A_138 = arith.constant 0 : index
    %get3A_139 = vector.load %arg14[%get3A_137, %get3A_138] : memref<1x400xf32, #tpu.memory_space<vmem>>, vector<1x400xf32>
    %mul3A_140 = arith.constant 0.999994993 : f32
    %mul3A_141 = vector.broadcast %mul3A_140 : f32 to vector<1x400xf32>
    %mul3A_142 = arith.mulf %mul3A_141, %get3A_139 : vector<1x400xf32>
    %mul3A_143 = vector.broadcast %mul3A_142 : vector<1x400xf32> to vector<512x400xf32>
    %mul3A_144 = arith.mulf %add3A_136, %mul3A_143 : vector<512x400xf32>
    %get3A_145 = arith.constant 0 : index
    %get3A_146 = arith.constant 0 : index
    %get3A_147 = vector.load %arg15[%get3A_145, %get3A_146] : memref<1x400xf32, #tpu.memory_space<vmem>>, vector<1x400xf32>
    %add3A_148 = vector.broadcast %get3A_147 : vector<1x400xf32> to vector<512x400xf32>
    %add3A_149 = arith.addf %mul3A_144, %add3A_148 : vector<512x400xf32>
    %max3A_150 = arith.constant 0.000000e+00 : f32
    %max3A_151 = vector.broadcast %max3A_150 : f32 to vector<512x400xf32>
    %max3A_152 = arith.maximumf %add3A_149, %max3A_151 : vector<512x400xf32>
    %get3A_153 = arith.constant 0 : index
    %get3A_154 = arith.constant 0 : index
    %get3A_155 = vector.load %arg16[%get3A_153, %get3A_154] : memref<442x1xf32, #tpu.memory_space<vmem>>, vector<442x1xf32>
    %slice3A = vector.extract_strided_slice %get3A_155 {offsets = [0, 0], sizes = [26, 1], strides = [1, 1]} : vector<442x1xf32> to vector<26x1xf32>
    %convert_element_type3A_156 = arith.truncf %mul3A_69 : vector<512x26xf32> to vector<512x26xbf16>
    %convert_element_type3A_157 = arith.truncf %slice3A : vector<26x1xf32> to vector<26x1xbf16>
    %dot_general3A_158 = arith.constant dense<0.000000e+00> : vector<512x1xf32>
    %dot_general3A_159 = tpu.matmul %convert_element_type3A_156, %convert_element_type3A_157, %dot_general3A_158 {dimension_numbers = #tpu.dot_dimension_numbers<[1], [0], [0], [1], [0, 0, 1, 1], [], []>, transpose_lhs_hint = false} : vector<512x26xbf16>, vector<26x1xbf16>, vector<512x1xf32> -> vector<512x1xf32>
    %slice3A_160 = vector.extract_strided_slice %get3A_155 {offsets = [26, 0], sizes = [16, 1], strides = [1, 1]} : vector<442x1xf32> to vector<16x1xf32>
    %convert_element_type3A_161 = arith.truncf %mul3A_68 : vector<512x16xf32> to vector<512x16xbf16>
    %convert_element_type3A_162 = arith.truncf %slice3A_160 : vector<16x1xf32> to vector<16x1xbf16>
    %dot_general3A_163 = arith.constant dense<0.000000e+00> : vector<512x1xf32>
    %dot_general3A_164 = tpu.matmul %convert_element_type3A_161, %convert_element_type3A_162, %dot_general3A_163 {dimension_numbers = #tpu.dot_dimension_numbers<[1], [0], [0], [1], [0, 0, 1, 1], [], []>, transpose_lhs_hint = false} : vector<512x16xbf16>, vector<16x1xbf16>, vector<512x1xf32> -> vector<512x1xf32>
    %add3A_165 = arith.addf %dot_general3A_159, %dot_general3A_164 : vector<512x1xf32>
    %slice3A_166 = vector.extract_strided_slice %get3A_155 {offsets = [42, 0], sizes = [400, 1], strides = [1, 1]} : vector<442x1xf32> to vector<400x1xf32>
    %convert_element_type3A_167 = arith.truncf %max3A_152 : vector<512x400xf32> to vector<512x400xbf16>
    %convert_element_type3A_168 = arith.truncf %slice3A_166 : vector<400x1xf32> to vector<400x1xbf16>
    %dot_general3A_169 = arith.constant dense<0.000000e+00> : vector<512x1xf32>
    %dot_general3A_170 = tpu.matmul %convert_element_type3A_167, %convert_element_type3A_168, %dot_general3A_169 {dimension_numbers = #tpu.dot_dimension_numbers<[1], [0], [0], [1], [0, 0, 1, 1], [], []>, transpose_lhs_hint = false} : vector<512x400xbf16>, vector<400x1xbf16>, vector<512x1xf32> -> vector<512x1xf32>
    %add3A_171 = arith.addf %add3A_165, %dot_general3A_170 : vector<512x1xf32>
    %get3A_172 = arith.constant 0 : index
    %get3A_173 = arith.constant 0 : index
    %get3A_174 = vector.load %arg17[%get3A_172, %get3A_173] : memref<1x1xf32, #tpu.memory_space<vmem>>, vector<1x1xf32>
    %add3A_175 = vector.broadcast %get3A_174 : vector<1x1xf32> to vector<512x1xf32>
    %add3A_176 = arith.addf %add3A_171, %add3A_175 : vector<512x1xf32>
    %swap3A = arith.constant 0 : index
    %swap3A_177 = arith.constant 0 : index
    %swap3A_178 = vector.load %arg18[%swap3A, %swap3A_177] : memref<512x1xf32, #tpu.memory_space<vmem>>, vector<512x1xf32>
    tpu.vector_store %arg18[%swap3A, %swap3A_177], %add3A_176 {strides = array<i32>} : memref<512x1xf32, #tpu.memory_space<vmem>>, vector<512x1xf32>,
    return
  }
  func.func @transform_0(%arg0: i32) -> (i32, i32) {
    %c0_i32 = arith.constant 0 : i32
    %c0_i32_0 = arith.constant 0 : i32
    return %arg0, %c0_i32 : i32, i32
  }
  func.func @transform_1(%arg0: i32) -> (i32, i32) {
    %c0_i32 = arith.constant 0 : i32
    %c0_i32_0 = arith.constant 0 : i32
    return %arg0, %c0_i32 : i32, i32
  }
  func.func @transform_2(%arg0: i32) -> (i32, i32) {
    %c0_i32 = arith.constant 0 : i32
    %c0_i32_0 = arith.constant 0 : i32
    return %arg0, %c0_i32 : i32, i32
  }
  func.func @transform_3(%arg0: i32) -> (i32, i32) {
    %c0_i32 = arith.constant 0 : i32
    %c0_i32_0 = arith.constant 0 : i32
    %c0_i32_1 = arith.constant 0 : i32
    return %c0_i32, %c0_i32_0 : i32, i32
  }
  func.func @transform_4(%arg0: i32) -> (i32, i32) {
    %c0_i32 = arith.constant 0 : i32
    %c0_i32_0 = arith.constant 0 : i32
    %c0_i32_1 = arith.constant 0 : i32
    return %c0_i32, %c0_i32_0 : i32, i32
  }
  func.func @transform_5(%arg0: i32) -> (i32, i32) {
    %c0_i32 = arith.constant 0 : i32
    %c0_i32_0 = arith.constant 0 : i32
    %c0_i32_1 = arith.constant 0 : i32
    return %c0_i32, %c0_i32_0 : i32, i32
  }
  func.func @transform_6(%arg0: i32) -> (i32, i32) {
    %c0_i32 = arith.constant 0 : i32
    %c0_i32_0 = arith.constant 0 : i32
    %c0_i32_1 = arith.constant 0 : i32
    return %c0_i32, %c0_i32_0 : i32, i32
  }
  func.func @transform_7(%arg0: i32) -> (i32, i32) {
    %c0_i32 = arith.constant 0 : i32
    %c0_i32_0 = arith.constant 0 : i32
    %c0_i32_1 = arith.constant 0 : i32
    return %c0_i32, %c0_i32_0 : i32, i32
  }
  func.func @transform_8(%arg0: i32) -> (i32, i32) {
    %c0_i32 = arith.constant 0 : i32
    %c0_i32_0 = arith.constant 0 : i32
    %c0_i32_1 = arith.constant 0 : i32
    return %c0_i32, %c0_i32_0 : i32, i32
  }
  func.func @transform_9(%arg0: i32) -> (i32, i32) {
    %c0_i32 = arith.constant 0 : i32
    %c0_i32_0 = arith.constant 0 : i32
    %c0_i32_1 = arith.constant 0 : i32
    return %c0_i32, %c0_i32_0 : i32, i32
  }
  func.func @transform_10(%arg0: i32) -> (i32, i32) {
    %c0_i32 = arith.constant 0 : i32
    %c0_i32_0 = arith.constant 0 : i32
    %c0_i32_1 = arith.constant 0 : i32
    return %c0_i32, %c0_i32_0 : i32, i32
  }
  func.func @transform_11(%arg0: i32) -> (i32, i32) {
    %c0_i32 = arith.constant 0 : i32
    %c0_i32_0 = arith.constant 0 : i32
    %c0_i32_1 = arith.constant 0 : i32
    return %c0_i32, %c0_i32_0 : i32, i32
  }
  func.func @transform_12(%arg0: i32) -> (i32, i32) {
    %c0_i32 = arith.constant 0 : i32
    %c0_i32_0 = arith.constant 0 : i32
    %c0_i32_1 = arith.constant 0 : i32
    return %c0_i32, %c0_i32_0 : i32, i32
  }
  func.func @transform_13(%arg0: i32) -> (i32, i32) {
    %c0_i32 = arith.constant 0 : i32
    %c0_i32_0 = arith.constant 0 : i32
    %c0_i32_1 = arith.constant 0 : i32
    return %c0_i32, %c0_i32_0 : i32, i32
  }
  func.func @transform_14(%arg0: i32) -> (i32, i32) {
    %c0_i32 = arith.constant 0 : i32
    %c0_i32_0 = arith.constant 0 : i32
    %c0_i32_1 = arith.constant 0 : i32
    return %c0_i32, %c0_i32_0 : i32, i32
  }
  func.func @transform_15(%arg0: i32) -> (i32, i32) {
    %c0_i32 = arith.constant 0 : i32
    %c0_i32_0 = arith.constant 0 : i32
    %c0_i32_1 = arith.constant 0 : i32
    return %c0_i32, %c0_i32_0 : i32, i32
  }
  func.func @transform_16(%arg0: i32) -> (i32, i32) {
    %c0_i32 = arith.constant 0 : i32
    %c0_i32_0 = arith.constant 0 : i32
    %c0_i32_1 = arith.constant 0 : i32
    return %c0_i32, %c0_i32_0 : i32, i32
  }
  func.func @transform_17(%arg0: i32) -> (i32, i32) {
    %c0_i32 = arith.constant 0 : i32
    %c0_i32_0 = arith.constant 0 : i32
    return %arg0, %c0_i32 : i32, i32
  }
}

</mosaic_0001>

<sc_bundles>
// kernel: kernel.4.cloned.1.call-start
scs
__scs_entry_jumppad:
0x0: {  	(pc) =	sbr.rel $0x88, $3  }
0x1: {  	(tag) =	ssettag $0x0;
	lr =	simm.s32 $0x1  }
0x2: {  	[smem:$0x3F8F] =	sst lr;
	_ =	strace $0xD0000000  }
0x3: {  	_ = 	snop  }
0x4: {  	_ = 	snop  }
0x5: {  	_ = 	snop  }
0x6: {  	_ = 	snop  }
0x7: {  	_ = 	snop  }
__scs_overlays_trampoline_lowered:
0x8: {  	[smem:$0x3F9E] =	sst s0  }
0x9: {  	[smem:$0x3F9F] =	sst s1  }
0xa: {  	[smem:$0x3FA0] =	sst s2  }
0xb: {  	[smem:$0x3FA1] =	sst s3  }
0xc: {  	[smem:$0x3FA2] =	sst s4  }
0xd: {  	[smem:$0x3FA3] =	sst s5  }
0xe: {  	[smem:$0x3FA4] =	sst s6  }
0xf: {  	[smem:$0x3FA5] =	sst s7  }
0x10: {  	[smem:$0x3FA6] =	sst s8  }
0x11: {  	[smem:$0x3FA7] =	sst s9;
	s0 =	simm.s32 @!p0 $0x0  }
0x12: {  	s1 =	sld [smem:$0x3F8D];
	s0 =	simm.s32 @p0 $0x1  }
0x13: {  	[smem:$0x3FA8] =	sst s0;
	s0 =	simm.s32 @!p1 $0x0  }
0x14: {  	s2 =	sld [smem:$0x3F8C];
	s0 =	simm.s32 @p1 $0x1  }
0x15: {  	[smem:$0x3FA9] =	sst s0;
	s0 =	simm.s32 @!p2 $0x0  }
0x16: {  	s3 =	sld [smem:$0x3FDB];
	s0 =	simm.s32 @p2 $0x1  }
0x17: {  	s4 =	simm.s32 $0x1BF5;
	[smem:$0x3FAB] =	sst s0  }
0x18: {  	s0 =	sld [smem:$0x3F8E];
	_ =	swait.ge [sflag:s4], $0x0  }
0x19: {  	s7 =	sld [smem:$0x3F8F]  }
0x1a: {  	s8 =	sadd.s32 $0xFFFFE003, lr  }
0x1b: {  	s9 =	sadd.s32 $0xFFFFFEF7, lr;
	s5 =	simm.s32 $0xFFFFFFFF;
	p2 =	slt.u32 s8, $0xFFFFF086  }
0x1c: {  	p1 =	slt.u32 s9, $0xF7A;
	s5 =	simm.s32 @!p2 $0x0  }
0x1d: {  	s5 =	simm.s32 @p1 $0x1;
	p0 =	seq.s32 s7, s2  }
0x1e: {  	s7 =	smul.u32 @!p0 $0xF7A, s2;
	p2 =	seq.s32 @!p0 s5, $0x0  }
0x1f: {  	s9 =	smul.u32 $0xF7A, s1;
	s8 =	simm.s32 @!p0 $0x1BF5;
	p2 =	por !p2, p0  }
0x20: {  	[sflag:s8] =	ssyncset.s32 @!p0 $0xFFFFF086;
	s6 =	sadd.s32 @!p0 s3, s7;
	s7 =	simm.s32 @!p0 $0x108  }
0x21: {  	s3 =	sadd.s32 s3, s9;
	s6 =	sadd.s32 @!p0 $0x88, s6;
	s7 =	simm.s32 @p2 $0x1082  }
0x22: {  	[simem:s7], [sflag:s8] =	dma.local @!p0 [hbm:s6], $0xF7A  }
0x23: {  	s9 =	sor.u32 $0xD0000000, s2;
	s6 =	simm.s32 $0x108;
	_ =	swait.ge @!p0 [sflag:s8], $0x0  }
0x24: {  	s3 =	sadd.s32 $0x88, s3;
	s6 =	simm.s32 @!p1 $0x1082;
	[sflag:s4] =	ssyncset.s32 $0xFFFFF086  }
0x25: {  	[simem:s6], [sflag:s4] =	dma.local [hbm:s3], $0xF7A  }
0x26: {  	[smem:$0x3F8F] =	sst s1;
	(tag) =	ssettag s2;
	_ =	strace s9  }
0x27: {  	s1 =	sld [smem:$0x3F9F]  }
0x28: {  	s2 =	sld [smem:$0x3FA0]  }
0x29: {  	s4 =	sld [smem:$0x3FA2]  }
0x2a: {  	p0 =	seq.s32 s5, $0x0;
	s5 =	sld [smem:$0x3FA3]  }
0x2b: {  	s6 =	sld [smem:$0x3FA4]  }
0x2c: {  	s7 =	sld [smem:$0x3FA5]  }
0x2d: {  	s3 =	simm.s32 $0x108;
	s8 =	sld [smem:$0x3FA6]  }
0x2e: {  	s3 =	simm.s32 @!p0 $0x1082;
	s9 =	sld [smem:$0x3FA7]  }
0x2f: {  	lr =	sadd.s32 s0, s3;
	s0 =	sld [smem:$0x3F9E]  }
0x30: {  	s3 =	sld [smem:$0x3FA1]  }
0x31: {  	[smem:$0x3FAA] =	sst s10  }
0x32: {  	s10 =	sld [smem:$0x3FA8];
	_ =	sdelay $0x3  }
0x33: {  	p0 =	seq.s32 s10, $0x1;
	s10 =	sld [smem:$0x3FAA];
	_ =	sdelay $0x3  }
0x34: {  	[smem:$0x3FAA] =	sst s10  }
0x35: {  	s10 =	sld [smem:$0x3FA9];
	_ =	sdelay $0x3  }
0x36: {  	p1 =	seq.s32 s10, $0x1;
	s10 =	sld [smem:$0x3FAA];
	_ =	sdelay $0x3  }
0x37: {  	[smem:$0x3FAA] =	sst s10  }
0x38: {  	s10 =	sld [smem:$0x3FAB]  }
0x39: {  	_ = 	snop;
	(pc) =	sbr.ind lr, $3  }
0x3a: {  	_ = 	snop  }
0x3b: {  	_ = 	snop  }
0x3c: {  	p2 =	seq.s32 s10, $0x1;
	s10 =	sld [smem:$0x3FAA]  }
0x3d: {  	_ =	shalt  }
0x3e: {  	_ =	shalt  }
0x3f: {  	_ =	shalt  }
0x40: {  	_ =	shalt  }
0x41: {  	_ =	shalt  }
0x42: {  	_ =	shalt  }
0x43: {  	_ =	shalt  }
0x44: {  	_ =	shalt  }
0x45: {  	_ =	shalt  }
0x46: {  	_ =	shalt  }
0x47: {  	_ =	shalt  }
0x48: {  	_ =	shalt  }
0x49: {  	_ =	shalt  }
0x4a: {  	_ =	shalt  }
0x4b: {  	_ =	shalt  }
0x4c: {  	_ =	shalt  }
0x4d: {  	_ =	shalt  }
0x4e: {  	_ =	shalt  }
0x4f: {  	_ =	shalt  }
0x50: {  	_ =	shalt  }
0x51: {  	_ =	shalt  }
0x52: {  	_ =	shalt  }
0x53: {  	_ =	shalt  }
0x54: {  	_ =	shalt  }
0x55: {  	_ =	shalt  }
0x56: {  	_ =	shalt  }
0x57: {  	_ =	shalt  }
0x58: {  	_ =	shalt  }
0x59: {  	_ =	shalt  }
0x5a: {  	_ =	shalt  }
0x5b: {  	_ =	shalt  }
0x5c: {  	_ =	shalt  }
0x5d: {  	_ =	shalt  }
0x5e: {  	_ =	shalt  }
0x5f: {  	_ =	shalt  }
0x60: {  	_ =	shalt  }
0x61: {  	_ =	shalt  }
0x62: {  	_ =	shalt  }
0x63: {  	_ =	shalt  }
0x64: {  	_ =	shalt  }
0x65: {  	_ =	shalt  }
0x66: {  	_ =	shalt  }
0x67: {  	_ =	shalt  }
0x68: {  	_ =	shalt  }
0x69: {  	_ =	shalt  }
0x6a: {  	_ =	shalt  }
0x6b: {  	_ =	shalt  }
0x6c: {  	_ =	shalt  }
0x6d: {  	_ =	shalt  }
0x6e: {  	_ =	shalt  }
0x6f: {  	_ =	shalt  }
0x70: {  	_ =	shalt  }
0x71: {  	_ =	shalt  }
0x72: {  	_ =	shalt  }
0x73: {  	_ =	shalt  }
0x74: {  	_ =	shalt  }
0x75: {  	_ =	shalt  }
0x76: {  	_ =	shalt  }
0x77: {  	_ =	shalt  }
0x78: {  	_ =	shalt  }
0x79: {  	_ =	shalt  }
0x7a: {  	_ =	shalt  }
0x7b: {  	_ =	shalt  }
0x7c: {  	_ =	shalt  }
0x7d: {  	_ =	shalt  }
0x7e: {  	_ =	shalt  }
0x7f: {  	_ =	shalt  }
0x80: {  	_ =	shalt  }
0x81: {  	_ =	shalt  }
0x82: {  	_ =	shalt  }
0x83: {  	_ =	shalt  }
0x84: {  	_ =	shalt  }
0x85: {  	_ =	shalt  }
0x86: {  	_ =	shalt  }
0x87: {  	_ =	shalt  }
.Lfunc_end0:
.L_simem_size_0:
called_computation_lowered:
.L_overlay_start_0:
0x88: {  	s2 =	sld [smem:$0x3FD9]  }
0x89: {  	s3 =	sld [smem:$0x3FFE];
	_ =	sdelay $0x1  }
0x8a: {  	s1 =	srdreg.scid  }
0x8b: {  	s0 =	sand.u32 $0x1, s1  }
0x8c: {  	s16 =	sshll.u32 s0, $0xA;
	s2 =	sadd.s32 s3, s2  }
0x8d: {  	s2 =	sadd.s32 s2, s16  }
0x8e: {  	[smem:$0x3FB6] =	sst s2  }
0x8f: {  	_ = 	snop  }
0x90: {  	(tm) =	ssettm $0x1  }
0x91: {  	s17 =	sld [smem:$0x3FFB];
	_ =	sdelay $0x3  }
0x92: {  	_ =	strace s17  }
0x93: {  	s2 =	sld [smem:$0x3FFC];
	_ =	sdelay $0x3  }
0x94: {  	_ =	strace s2  }
0x95: {  	s2 =	sld [smem:$0x3FFD];
	_ =	sdelay $0x3  }
0x96: {  	_ =	strace s2  }
0x97: {  	_ =	strace $0x8FFFFFFF  }
0x98: {  	s18 =	sld [smem:$0x3FDB];
	_ =	sdelay $0x1  }
0x99: {  	s19 =	simm.s32 $_scs_section_size  }
0x9a: {  	s4 =	simm.s32 $_size__tile_overlayer_lowered;
	s5 =	simm.s32 $_tile_overlayer_lowered  }
0x9b: {  	s22 =	simm.s32 $0x1BFF;
	s21 =	sshll.u32 s5, $0x1;
	s2 =	sadd.s32 s19, s18  }
0x9c: {  	s6 =	simm.s32 $0x0;
	s20 =	sshll.u32 s4, $0x1;
	s4 =	sadd.s32 s21, s2  }
0x9d: {  	[timem:s6], [sflag:s22] =	dma.local [hbm:s4], s20  }
0x9e: {  	_ =	swait.ge [sflag:s22], s20  }
0x9f: {  	s3 =	ssub.s32 $0x0, s20;
	[sflag:s22] =	ssyncset.done $0x0  }
0xa0: {  	[sflag:s22] =	ssyncadd.s32 s3;
	_ =	sdelay $0x1  }
0xa1: {  	s23 =	simm.s32 $0x1B8B  }
0xa2: {  	_ =	swait.ge [sflag:s23], $0x1  }
0xa3: {  	[sflag:s23] =	ssyncset.done $0x0  }
0xa4: {  	s25 =	simm.s32 $0x1B8E;
	s24 =	sld [smem:$0x3FFE];
	[sflag:s23] =	ssyncadd.s32 $0xFFFFFFFF  }
0xa5: {  	s26 =	simm.s32 $execute0_lowered;
	[smem:$0x3FD2] =	sst s25  }
0xa6: {  	s4 =	sshll.u32 s26, $0x1;
	_ =	strace $0x80000046;
	[dreg:$0x1] =	wrdreg $0xFFFFFFFF  }
0xa7: {  	s28 =	simm.s32 $_size_execute0_lowered;
	s2 =	sadd.s32 s2, s4;
	[dreg:$0x0] =	wrdreg $0x0  }
0xa8: {  	s4 =	sshll.u32 s28, $0x1;
	[dreg:$0x2] =	wrdreg s2  }
0xa9: {  	[dreg:$0x3] =	wrdreg s4  }
0xaa: {  	[dreg:$0x4] =	wrdreg $0xC0  }
0xab: {  	_ =	task [dreg:s6], $0x5FFFF  }
0xac: {  	[dreg:$0x1] =	wrdreg $0xFFFFFFFF  }
0xad: {  	[dreg:$0x0] =	wrdreg $0x60  }
0xae: {  	[dreg:$0x2] =	wrdreg s24  }
0xaf: {  	[dreg:$0x3] =	wrdreg $0x9  }
0xb0: {  	_ =	task.clear_ibuf [dreg:s6], $0x4FFFF;
	_ =	strace $0x90000046  }
0xb1: {  	s29 =	simm.s32 $0x9;
	_ =	strace $0x80000048  }
0xb2: {  	_ =	swait.ge [sflag:s29], $0x1  }
0xb3: {  	[sflag:s29] =	ssyncadd.s32 $0xFFFFFFFF  }
0xb4: {  	_ =	strace $0x90000048  }
0xb5: {  	_ =	sfence  }
0xb6: {  	s30 =	sld [smem:$0x0];
	_ =	sdelay $0x2  }
0xb7: {  	s31 =	sshll.u32 s1, $0xD;
	s1 =	sshrl.u32 s1, $0x2  }
0xb8: {  	s3 =	sand.u32 $0x4000, s31;
	s1 =	sadd.s32 s1, s30  }
0xb9: {  	s0 =	sor.u32 s3, s0;
	s1 =	sshll.u32 s1, $0x11  }
0xba: {  	s0 =	sor.u32 s1, s0  }
0xbb: {  	s0 =	sadd.s32 $0x8F2B, s0  }
0xbc: {  	[sflag:s0] =	ssyncadd.remote.s32 $0x1  }
0xbd: {  	_ =	sfence.sel $0xFFFF  }
0xbe: {  	[dreg:$0x0] =	wrdreg $0xFFFFFFFF;
	(pc) =	sbr.abs _section_cstart, $3  }
0xbf: {  	[dreg:$0x1] =	wrdreg $0xFFFFFFFF  }
0xc0: {  	_ =	task.clear_ibuf [dreg:s6], $0x2FFFF;
	_ =	strace $0x9FFFFFFF  }
0xc1: {  	(tm) =	ssettm $0x7FFFFFFF  }
tec
execute0_lowered:
.L_overlay_start_1:
0x0: {  	(tag) =	ssettag $0x1  }
0x1: {  	s1 =	srdreg.scid  }
0x2: {  	s0 =	stileid.u32;
	s5 =	rddreg [dreg:$0x0];
	s2 =	simm.s32 $0x0  }
0x3: {  	s13 =	simm.s32 $0x1A00;
	s14 =	simm.s32 $0x80;
	s15 =	simm.s32 $0x1  }
0x4: {  	s16 =	simm.s32 $0x2700;
	s17 =	simm.s32 $0xF700;
	s18 =	simm.s32 $0x1C700  }
0x5: {  	s3 =	sand.u32 $0x1, s1;
	s4 =	sshll.u32 s0, $0x1;
	s1 =	rddreg [dreg:$0x1]  }
0x6: {  	s19 =	simm.s32 $0x0;
	[smem:$0x7FF] =	sst s2;
	s4 =	sor.u32 s3, s4  }
0x7: {  	_ =	strace $0x80000047;
	s8 =	ssub.s32 $0x2, s3;
	s7 =	smul.u32 $0x1A0, s4  }
0x8: {  	s3 =	sadd.s32 $0xF4BE00, s5;
	s6 =	smul.u32 $0x1A00, s4;
	s9 =	sshrl.u32 s8, $0x1  }
0x9: {  	s4 =	sadd.s32 $0xC200, s5;
	s12 =	ssub.s32 s8, s9;
	s11 =	sadd.s32 s7, s5  }
0xa: {  	s10 =	sadd.s32 s6, s5;
	s5 =	sadd.s32 $0x2600, s11;
	s6 =	sadd.s32 $0x5A00, s11  }
0xb: {  	v0 =	vlaneseq.u32;
	s7 =	sadd.s32 $0x8E00, s11;
	s8 =	sadd.s32 $0x2AC00, s10;
	s9 =	sadd.s32 $0x5EC00, s11  }
0xc: {  	v0 =	vmul.u32 $0x10, v0;
	s10 =	smax.u32 s12, $0x1;
	s11 =	simm.s32 $0x2;
	s12 =	simm.s32 $0xD00  }
.LBB2_1:
0xd: {  	[tilespmem:s2], [sflag:$0x2] =	stream.linear.gather [hbm4b:s5+s2], $0xD00, $0x38;
	[tilespmem:$0x1D400] =	vst v63  }
0xe: {  	_ =	swait.ge [sflag:s11], $0xD00  }
0xf: {  	[sflag:s11] =	ssyncset.done $0x0  }
0x10: {  	[sflag:s11] =	ssyncadd.s32 $0xFFFFF300  }
0x11: {  	[tilespmem:s12], [sflag:$0x2] =	stream.linear.gather [hbm4b:s6+s2], $0xD00, $0x38;
	[tilespmem:$0x1D400] =	vst v63  }
0x12: {  	_ =	swait.ge [sflag:s11], $0xD00  }
0x13: {  	[sflag:s11] =	ssyncset.done $0x0  }
0x14: {  	[sflag:s11] =	ssyncadd.s32 $0xFFFFF300  }
0x15: {  	[tilespmem:s13], [sflag:$0x2] =	stream.linear.gather [hbm4b:s7+s2], $0xD00, $0x38;
	[tilespmem:$0x1D400] =	vst v63  }
0x16: {  	_ =	swait.ge [sflag:s11], $0xD00  }
0x17: {  	[sflag:s11] =	ssyncset.done $0x0  }
0x18: {  	s20 =	simm.s32 $0x0;
	s31 =	simm.s32 $0xD00;
	[sflag:s11] =	ssyncadd.s32 $0xFFFFF300  }
0x19: {  	[tilespmem:s16], [sflag:$0x1] =	stream.indirect.gather [hbm4b:s3+s14], $0x10, s20, s14, $0xb8;
	[tilespmem:$0x1D400] =	vst v63  }
0x1a: {  	s21 =	simm.s32 $0x2F00;
	s22 =	simm.s32 $0xF700;
	s20 =	simm.s32 $0x200  }
0x1b: {  	[tilespmem:s17], [sflag:$0x1] =	stream.indirect.gather [hbm4b:s4+s14], $0x10, s31, s14, $0xb8;
	[tilespmem:$0x1D400] =	vst v63  }
.LBB2_2:
0x1c: {  	s23 =	sshra.s32 s20, $0x2;
	p0 =	sne.s32 s20, $0x3200;
	s20 =	sadd.s32 $0x200, s20  }
0x1d: {  	[tilespmem:s21], [sflag:$0x1] =	stream.indirect.gather [hbm4b:s3+s14], $0x10, s23, s14, $0xb8;
	[tilespmem:$0x1D400] =	vst v63  }
.Ltmp0:
0x1e: {  	_ = 	snop;
	(pc) =	sbr.rel @p0 .LBB2_2-.Ltmp0, $4  }
0x1f: {  	s22 =	sadd.s32 $0x800, s22;
	s23 =	sadd.s32 $0xD00, s23  }
0x20: {  	[tilespmem:s22], [sflag:$0x1] =	stream.indirect.gather [hbm4b:s4+s14], $0x10, s23, s14, $0xb8;
	[tilespmem:$0x1D400] =	vst v63  }
0x21: {  	_ = 	snop  }
0x22: {  	s21 =	sadd.s32 $0x800, s21  }
0x23: {  	_ =	swait.ge [sflag:s15], $0x800  }
0x24: {  	[sflag:s15] =	ssyncset.done $0x0  }
0x25: {  	[sflag:s15] =	ssyncadd.s32 $0xFFFFF800  }
0x26: {  	_ =	swait.ge [sflag:s15], $0x800  }
0x27: {  	s20 =	simm.s32 $0x19;
	[sflag:s15] =	ssyncset.done $0x0  }
.LBB2_4:
0x28: {  	p0 =	sne.s32 s20, $0x1;
	s20 =	sadd.s32 $0xFFFFFFFF, s20;
	[sflag:s15] =	ssyncadd.s32 $0xFFFFF800  }
.Ltmp1:
0x29: {  	_ =	swait.ge [sflag:s15], $0x800;
	(pc) =	sbr.rel @p0 .LBB2_4-.Ltmp1, $4  }
0x2a: {  	[sflag:s15] =	ssyncset.done $0x0  }
0x2b: {  	[sflag:s15] =	ssyncadd.s32 $0xFFFFF800  }
0x2c: {  	_ =	swait.ge [sflag:s15], $0x800  }
0x2d: {  	[sflag:s15] =	ssyncset.done $0x0  }
0x2e: {  	[sflag:s15] =	ssyncadd.s32 $0xFFFFF800;
	s20 =	simm.s32 $0x0  }
0x2f: {  	[hbm4b:s8+s20] =	stream.linear.scatter [tilespmem:s16], [sflag:$0x2], $0xD000, $0x38;
	[tilespmem:$0x1D400] =	vst v63  }
0x30: {  	_ =	swait.ge [sflag:s11], $0xD000  }
0x31: {  	[sflag:s11] =	ssyncset.done $0x0  }
0x32: {  	s21 =	simm.s32 $0x1A00;
	[sflag:s11] =	ssyncadd.s32 $0xFFFF3000  }
0x33: {  	v1 =	vld [tilespmem:s21+$0x0];
	_ =	sdelay $0x2  }
0x34: {  	v2 =	vmov s20  }
0x35: {  	v2 =	vshll.u32 v2, $0x4  }
0x36: {  	v2 =	vor.u32 v0, v2;
	v3 =	vand.u32 $0xFFFFFFF8, v1  }
0x37: {  	v1 =	vand.u32 $0x7, v1;
	v2 =	vadd.s32 v2, v3  }
0x38: {  	v1 =	vor.u32 v1, v2;
	_ =	sdelay $0x4  }
0x39: {  	v1 =	vld.idx.msk [tilespmem:v1+s17+$0x0], $0xffff;
	_ =	sdelay $0x3  }
0x3a: {  	s21 =	simm.s32 $0x1C700  }
0x3b: {  	s22 =	simm.s32 $0x1A10;
	[tilespmem:s21+$0x0] =	vst v1  }
0x3c: {  	s23 =	simm.s32 $0x2;
	v1 =	vld [tilespmem:s22+$0x0]  }
.LBB2_6:
0x3d: {  	p0 =	sne.s32 s23, $0xCF  }
0x3e: {  	s20 =	sadd.s32 $0x10, s20  }
0x3f: {  	v2 =	vmov s20  }
0x40: {  	v2 =	vshll.u32 v2, $0x4  }
0x41: {  	v2 =	vor.u32 v0, v2;
	v3 =	vand.u32 $0xFFFFFFF8, v1  }
0x42: {  	v1 =	vand.u32 $0x7, v1;
	v2 =	vadd.s32 v2, v3  }
0x43: {  	v1 =	vor.u32 v1, v2;
	_ =	sdelay $0x4  }
0x44: {  	v1 =	vld.idx.msk [tilespmem:v1+s17+$0x0], $0xffff;
	_ =	sdelay $0x2  }
.Ltmp2:
0x45: {  	(pc) =	sbr.rel @p0 .LBB2_6-.Ltmp2, $4  }
0x46: {  	_ = 	snop  }
0x47: {  	s21 =	sadd.s32 $0x10, s21  }
0x48: {  	s22 =	sadd.s32 $0x10, s22;
	[tilespmem:s21+$0x0] =	vst v1  }
0x49: {  	s23 =	sadd.s32 $0x1, s23;
	v1 =	vld [tilespmem:s22+$0x0]  }
0x4a: {  	_ = 	snop  }
0x4b: {  	s20 =	sadd.s32 $0x10, s20  }
0x4c: {  	v2 =	vmov s20  }
0x4d: {  	v2 =	vshll.u32 v2, $0x4  }
0x4e: {  	v2 =	vor.u32 v0, v2;
	v3 =	vand.u32 $0xFFFFFFF8, v1  }
0x4f: {  	v1 =	vand.u32 $0x7, v1;
	v2 =	vadd.s32 v2, v3  }
0x50: {  	v1 =	vor.u32 v1, v2;
	_ =	sdelay $0x4  }
0x51: {  	v1 =	vld.idx.msk [tilespmem:v1+s17+$0x0], $0xffff;
	_ =	sdelay $0x2  }
0x52: {  	s19 =	sadd.s32 $0x1, s19  }
0x53: {  	s31 =	sadd.s32 $0x10, s21;
	p0 =	sne.s32 s19, s10  }
.Ltmp3:
0x54: {  	[tilespmem:s31+$0x0] =	vst v1;
	(pc) =	sbr.rel @p0 .LBB2_1-.Ltmp3, $4  }
0x55: {  	[hbm4b:s9+s2] =	stream.linear.scatter [tilespmem:s18], [sflag:$0x2], $0xD00, $0x38;
	[tilespmem:$0x1D400] =	vst v63  }
0x56: {  	_ =	swait.ge [sflag:s11], $0xD00  }
0x57: {  	[sflag:s11] =	ssyncset.done $0x0  }
0x58: {  	[sflag:s11] =	ssyncadd.s32 $0xFFFFF300  }
0x59: {  	_ =	sfence.sel $0x180000  }
0x5a: {  	[bflag:$0x0] =	sbarrier.arrive $0xFFFF  }
0x5b: {  	p0 =	sne.s32 s0, $0x0;
	_ =	strace $0x90000047  }
0x5c: {  	s0 =	sadd.s32 @!p0 $0x100000, s1;
	[bflag:$0x2] =	sbarrier.arrive $0xFFFF  }
0x5d: {  	[sflag:s0] =	ssyncadd.tile.s32 @!p0 $0x1;
	_ =	shalt  }
.Lfunc_end2:
_tile_overlayer_lowered:
.L_overlay_start_2:
0x5e: {  	(tag) =	ssettag $0x2  }
0x5f: {  	s0 =	rddreg [dreg:$0x0];
	s2 =	stileid.u32  }
0x60: {  	s1 =	rddreg [dreg:$0x1];
	p0 =	sne.s32 s2, $0x0  }
0x61: {  	s3 =	rddreg [dreg:$0x2];
	[bflag:$0x3] =	sbarrier.arrive $0xFFFF;
	s2 =	simm.s32 @!p0 $0x1C02  }
0x62: {  	[timem:s3], [sflag:s2] =	dma.local @!p0 [hbm:s0], s1  }
0x63: {  	s0 =	simm.s32 @!p0 $0x2  }
0x64: {  	_ =	swait.ge @!p0 [sflag:s0], s1  }
0x65: {  	s1 =	ssub.s32 @!p0 $0x0, s1;
	[sflag:s0] =	ssyncset.done @!p0 $0x0  }
0x66: {  	[sflag:s0] =	ssyncadd.s32 @!p0 s1  }
0x67: {  	[bflag:$0x3] =	sbarrier.arrive $0xFFFF  }
0x68: {  	_ =	shalt  }

</sc_bundles>
